<compile_context>
chip_gen: v7x
topology: tpu7x:2x2x1
jax: 0.10.2.dev20260603
libtpu: 0.0.44.dev20260713+nightly
codegen_flags: <defaults>
</compile_context>

<pallas_src>
import functools

import jax
import jax.numpy as jnp
from jax import lax
from jax.experimental import pallas as pl
from jax.experimental.pallas import tpu as pltpu
from jax.experimental.pallas import tpu_sc as plsc

N_FIELDS = 26
VOCAB = 100
DIM = 128
BATCH = 16384
LOG2_BATCH = 14

NC = 2
NS = 16
NW = NC * NS
L = 16

ROWS = N_FIELDS * BATCH
ROWS_PER_W = ROWS // NW
CHUNK = 128
ITERS = ROWS_PER_W // CHUNK
NB = 4


def _sc_embed(xt, U):
  mesh = plsc.VectorSubcoreMesh(core_axis_name="c", subcore_axis_name="s")

  @functools.partial(
      pl.kernel,
      mesh=mesh,
      out_type=jax.ShapeDtypeStruct((ROWS, DIM), jnp.float32),
      scratch_types=(
          [pltpu.VMEM((ROWS_PER_W,), jnp.int32)]
          + [pltpu.VMEM((CHUNK, DIM), jnp.float32)] * NB
          + [pltpu.VMEM_SHARED((N_FIELDS * VOCAB, DIM), jnp.float32)]
          + [pltpu.SemaphoreType.DMA] * (2 * NB + 1)
      ),
  )
  def k(x_hbm, u_hbm, o_hbm, xt_v, r0, r1, r2, r3, u_sp,
        g0, g1, g2, g3, o0, o1, o2, o3, xsem):
    rows_ = (r0, r1, r2, r3)
    gsem = (g0, g1, g2, g3)
    osem = (o0, o1, o2, o3)
    wid = lax.axis_index("s") * NC + lax.axis_index("c")
    rbase0 = wid * ROWS_PER_W
    lane = lax.iota(jnp.int32, L)

    @pl.when(lax.axis_index("s") == 0)
    def _():
      pltpu.sync_copy(u_hbm, u_sp)

    pltpu.make_async_copy(
        x_hbm.at[pl.ds(rbase0, ROWS_PER_W)], xt_v, xsem).start()
    pltpu.make_async_copy(
        x_hbm.at[pl.ds(rbase0, ROWS_PER_W)], xt_v, xsem).wait()

    @plsc.parallel_loop(0, ROWS_PER_W // L)
    def _(j):
      pos = rbase0 + j * L + lane
      fld = lax.shift_right_logical(pos, LOG2_BATCH) * VOCAB
      sl = pl.ds(j * L, L)
      xt_v[sl] = xt_v[sl] + fld

    plsc.subcore_barrier()

    def gather(t, b):
      pltpu.make_async_copy(
          u_sp.at[xt_v.at[pl.ds(t * CHUNK, CHUNK)]], rows_[b],
          gsem[b]).start()

    def wait_gather(t, b):
      pltpu.make_async_copy(
          u_sp.at[xt_v.at[pl.ds(t * CHUNK, CHUNK)]], rows_[b],
          gsem[b]).wait()

    def out_copy(t, b):
      off = rbase0 + t * CHUNK
      return pltpu.make_async_copy(
          rows_[b], o_hbm.at[pl.ds(off, CHUNK)], osem[b])

    for b in range(NB):
      gather(b, b)

    def body(tt, carry):
      for b in range(NB):
        t = tt * NB + b
        wait_gather(t, b)
        out_copy(t, b).start()

        @pl.when(t + NB < ITERS)
        def _():
          out_copy(t, b).wait()
          gather(t + NB, b)

      return carry

    lax.fori_loop(0, ITERS // NB, body, 0)
    for b in range(NB):
      out_copy(ITERS - NB + b, b).wait()

  return k(xt, U)


def kernel(x, W):
  xt = jnp.transpose(x.astype(jnp.int32)).reshape(-1)
  U = W.reshape(N_FIELDS * VOCAB, DIM)
  E2 = _sc_embed(xt, U).reshape(N_FIELDS, BATCH, DIM)
  return jnp.transpose(E2, (1, 2, 0))

# --- scband reference (transcript-rebuilt; emitter-appended) ---
"""Pipeline reference for scband-embedding-factory-81200651698557 (READ-ONLY COPY).

The authoritative reference and input builder live on the scoring server;
editing this copy changes nothing except your own understanding.
"""

import jax, jax.numpy as jnp
import numpy as np

N_FIELDS = 26
VOCAB = 100
DIM = 128
BATCH = 16384

def setup_inputs(seed: int = 0) -> dict:
    key = jax.random.key(seed)
    k1, k2 = jax.random.split(key)
    x = jax.random.randint(k1, (BATCH, N_FIELDS), 0, VOCAB)
    # One embedding table per sparse field; all fields have cardinality VOCAB,
    # so we stack them into a single [N_FIELDS, VOCAB, DIM] parameter tensor.
    W = jax.random.normal(k2, (N_FIELDS, VOCAB, DIM), dtype=jnp.float32) * 0.02
    return {"x": x, "W": W}

def reference(x, W):
    # Faithful translation of EmbeddingFactory.forward:
    # per-column embedding lookup -> unsqueeze(2) -> concat along dim=2.
    cols = [jnp.take(W[c], x[:, c], axis=0)[:, :, None] for c in range(N_FIELDS)]
    return jnp.concatenate(cols, axis=2)  # [BATCH, DIM, N_FIELDS]

if __name__ == "__main__":
    import jax
    _d = setup_inputs()
    print(jax.jit(kernel)(*tuple(_d.values())))

</pallas_src>

<mosaic_0001>
#map = affine_map<(d0, d1) -> (0)>
#map1 = affine_map<(d0, d1) -> (0, 0)>
module attributes {stable_mosaic.version = 14 : i64} {
  func.func @k(%arg0: i32, %arg1: i32, %arg2: memref<425984xi32, #tpu.memory_space<hbm>>, %arg3: memref<2600x128xf32, #tpu.memory_space<hbm>>, %arg4: memref<425984x128xf32, #tpu.memory_space<hbm>>, %arg5: memref<13312xi32, #tpu.memory_space<vmem>>, %arg6: memref<128x128xf32, #tpu.memory_space<vmem>>, %arg7: memref<128x128xf32, #tpu.memory_space<vmem>>, %arg8: memref<128x128xf32, #tpu.memory_space<vmem>>, %arg9: memref<128x128xf32, #tpu.memory_space<vmem>>, %arg10: memref<2600x128xf32, #tpu.memory_space<vmem_shared>>, %arg11: memref<!tpu.dma_semaphore, #tpu.memory_space<semaphore_mem>>, %arg12: memref<!tpu.dma_semaphore, #tpu.memory_space<semaphore_mem>>, %arg13: memref<!tpu.dma_semaphore, #tpu.memory_space<semaphore_mem>>, %arg14: memref<!tpu.dma_semaphore, #tpu.memory_space<semaphore_mem>>, %arg15: memref<!tpu.dma_semaphore, #tpu.memory_space<semaphore_mem>>, %arg16: memref<!tpu.dma_semaphore, #tpu.memory_space<semaphore_mem>>, %arg17: memref<!tpu.dma_semaphore, #tpu.memory_space<semaphore_mem>>, %arg18: memref<!tpu.dma_semaphore, #tpu.memory_space<semaphore_mem>>, %arg19: memref<!tpu.dma_semaphore, #tpu.memory_space<semaphore_mem>>) attributes {dimension_semantics = [#tpu.dimension_semantics<core_parallel>, #tpu.dimension_semantics<subcore_parallel>], iteration_bounds = array<i64: 2, 16>, scalar_prefetch = 0 : i64, scratch_operands = 15 : i64, tpu.core_type = #tpu.core_type<sc_vector_subcore>, window_params = [{transform_indices = #map}, {transform_indices = #map1}, {transform_indices = #map1}]} {
    %mul3A = arith.constant 2 : i32
    %mul3A_0 = arith.muli %arg1, %mul3A : i32
    %add3A = arith.addi %mul3A_0, %arg0 : i32
    %mul3A_1 = arith.constant 13312 : i32
    %mul3A_2 = arith.muli %add3A, %mul3A_1 : i32
    %iota3A = tpu.iota {dimensions = array<i32: 0>} : vector<16xi32>
    %eq3A = arith.constant 0 : i32
    %eq3A_3 = arith.cmpi eq, %arg1, %eq3A : i32
    %convert_element_type3A = arith.extui %eq3A_3 : i1 to i32
    %cond3A = arith.constant 0 : i32
    %cond3A_4 = arith.cmpi ne, %convert_element_type3A, %cond3A : i32
    scf.if %cond3A_4 {
      "tpu.region"() ({
        %run_scoped3A = tpu.sem_alloc : memref<!tpu.dma_semaphore, #tpu.memory_space<semaphore_mem>>
        tpu.enqueue_dma source(%arg3 : memref<2600x128xf32, #tpu.memory_space<hbm>>) target(%arg10 : memref<2600x128xf32, #tpu.memory_space<vmem_shared>>) target_semaphore(%run_scoped3A : memref<!tpu.dma_semaphore, #tpu.memory_space<semaphore_mem>>)
        tpu.wait_dma2 semaphore(%run_scoped3A : memref<!tpu.dma_semaphore, #tpu.memory_space<semaphore_mem>>) src(%arg3 : memref<2600x128xf32, #tpu.memory_space<hbm>>) dst(%arg10 : memref<2600x128xf32, #tpu.memory_space<vmem_shared>>)
        tpu.yield
      }) : () -> ()
    } else {
    }
    %dma_start3A = tpu.memref_slice %arg2[%mul3A_2] : memref<425984xi32, #tpu.memory_space<hbm>> -> memref<13312xi32, #tpu.memory_space<hbm>>
    %dma_start3A_5 = tpu.memref_slice %arg2[%mul3A_2] : memref<425984xi32, #tpu.memory_space<hbm>> -> memref<13312xi32, #tpu.memory_space<hbm>>
    tpu.enqueue_dma source(%dma_start3A_5 : memref<13312xi32, #tpu.memory_space<hbm>>) target(%arg5 : memref<13312xi32, #tpu.memory_space<vmem>>) target_semaphore(%arg19 : memref<!tpu.dma_semaphore, #tpu.memory_space<semaphore_mem>>)
    %dma_wait3A = tpu.memref_slice %arg2[%mul3A_2] : memref<425984xi32, #tpu.memory_space<hbm>> -> memref<13312xi32, #tpu.memory_space<hbm>>
    %dma_wait3A_6 = tpu.memref_slice %arg2[%mul3A_2] : memref<425984xi32, #tpu.memory_space<hbm>> -> memref<13312xi32, #tpu.memory_space<hbm>>
    tpu.wait_dma2 semaphore(%arg19 : memref<!tpu.dma_semaphore, #tpu.memory_space<semaphore_mem>>) src(%dma_wait3A_6 : memref<13312xi32, #tpu.memory_space<hbm>>) dst(%arg5 : memref<13312xi32, #tpu.memory_space<vmem>>)
    %parallel_loop3A = arith.constant 0 : i32
    %parallel_loop3A_7 = arith.constant 832 : i32
    %parallel_loop3A_8 = arith.constant 1 : i32
    scf.for %parallel_loop3A_58 = %parallel_loop3A to %parallel_loop3A_7 step %parallel_loop3A_8  : i32 {
      %parallel_loop3A_59 = arith.constant 16 : i32
      %parallel_loop3A_60 = arith.muli %parallel_loop3A_58, %parallel_loop3A_59 : i32
      %parallel_loop3A_61 = arith.addi %mul3A_2, %parallel_loop3A_60 : i32
      %parallel_loop3A_62 = vector.broadcast %parallel_loop3A_61 : i32 to vector<16xi32>
      %parallel_loop3A_63 = arith.addi %parallel_loop3A_62, %iota3A : vector<16xi32>
      %parallel_loop3A_64 = arith.constant 14 : i32
      %parallel_loop3A_65 = vector.broadcast %parallel_loop3A_64 : i32 to vector<16xi32>
      %parallel_loop3A_66 = arith.shrui %parallel_loop3A_63, %parallel_loop3A_65 : vector<16xi32>
      %parallel_loop3A_67 = arith.constant 100 : i32
      %parallel_loop3A_68 = vector.broadcast %parallel_loop3A_67 : i32 to vector<16xi32>
      %parallel_loop3A_69 = arith.muli %parallel_loop3A_66, %parallel_loop3A_68 : vector<16xi32>
      %parallel_loop3A_70 = arith.constant 16 : i32
      %parallel_loop3A_71 = arith.muli %parallel_loop3A_58, %parallel_loop3A_70 : i32
      %parallel_loop3A_72 = arith.index_cast %parallel_loop3A_71 : i32 to index
      %parallel_loop3A_73 = tpu.vector_load %arg5[%parallel_loop3A_72] {strides = array<i32>} : memref<13312xi32, #tpu.memory_space<vmem>>, vector<16xi32>,
      %parallel_loop3A_74 = vector.shape_cast %parallel_loop3A_73 : vector<16xi32> to vector<16xi32>
      %parallel_loop3A_75 = arith.addi %parallel_loop3A_74, %parallel_loop3A_69 : vector<16xi32>
      %parallel_loop3A_76 = arith.index_cast %parallel_loop3A_71 : i32 to index
      %parallel_loop3A_77 = tpu.vector_load %arg5[%parallel_loop3A_76] {strides = array<i32>} : memref<13312xi32, #tpu.memory_space<vmem>>, vector<16xi32>,
      %parallel_loop3A_78 = vector.shape_cast %parallel_loop3A_77 : vector<16xi32> to vector<16xi32>
      %parallel_loop3A_79 = vector.shape_cast %parallel_loop3A_75 : vector<16xi32> to vector<16xi32>
      tpu.vector_store %arg5[%parallel_loop3A_76], %parallel_loop3A_79 {strides = array<i32>} : memref<13312xi32, #tpu.memory_space<vmem>>, vector<16xi32>,
    } {sc.loop_unroll_factor = 1 : i64, sc.parallel_access}
    %barrier3A = arith.constant 0 : index
    tpu.barrier barrier_id(%barrier3A)
    %dma_start3A_9 = arith.constant 0 : i32
    %dma_start3A_10 = tpu.memref_slice %arg5[%dma_start3A_9] : memref<13312xi32, #tpu.memory_space<vmem>> -> memref<128xi32, #tpu.memory_space<vmem>>
    %dma_start3A_11 = arith.constant 0 : i32
    %dma_start3A_12 = arith.constant 0 : i32
    %dma_start3A_13 = tpu.memref_slice %arg10[%dma_start3A_11, %dma_start3A_12] : memref<2600x128xf32, #tpu.memory_space<vmem_shared>> -> memref<2600x128xf32, #tpu.memory_space<vmem_shared>>
    tpu.enqueue_indirect_dma source(%dma_start3A_13 : memref<2600x128xf32, #tpu.memory_space<vmem_shared>>) target(%arg6 : memref<128x128xf32, #tpu.memory_space<vmem>>) offsets(%dma_start3A_10 : memref<128xi32, #tpu.memory_space<vmem>>) semaphore(%arg11 : memref<!tpu.dma_semaphore, #tpu.memory_space<semaphore_mem>>)
    %dma_start3A_14 = arith.constant 128 : i32
    %dma_start3A_15 = tpu.memref_slice %arg5[%dma_start3A_14] : memref<13312xi32, #tpu.memory_space<vmem>> -> memref<128xi32, #tpu.memory_space<vmem>>
    %dma_start3A_16 = arith.constant 0 : i32
    %dma_start3A_17 = arith.constant 0 : i32
    %dma_start3A_18 = tpu.memref_slice %arg10[%dma_start3A_16, %dma_start3A_17] : memref<2600x128xf32, #tpu.memory_space<vmem_shared>> -> memref<2600x128xf32, #tpu.memory_space<vmem_shared>>
    tpu.enqueue_indirect_dma source(%dma_start3A_18 : memref<2600x128xf32, #tpu.memory_space<vmem_shared>>) target(%arg7 : memref<128x128xf32, #tpu.memory_space<vmem>>) offsets(%dma_start3A_15 : memref<128xi32, #tpu.memory_space<vmem>>) semaphore(%arg12 : memref<!tpu.dma_semaphore, #tpu.memory_space<semaphore_mem>>)
    %dma_start3A_19 = arith.constant 256 : i32
    %dma_start3A_20 = tpu.memref_slice %arg5[%dma_start3A_19] : memref<13312xi32, #tpu.memory_space<vmem>> -> memref<128xi32, #tpu.memory_space<vmem>>
    %dma_start3A_21 = arith.constant 0 : i32
    %dma_start3A_22 = arith.constant 0 : i32
    %dma_start3A_23 = tpu.memref_slice %arg10[%dma_start3A_21, %dma_start3A_22] : memref<2600x128xf32, #tpu.memory_space<vmem_shared>> -> memref<2600x128xf32, #tpu.memory_space<vmem_shared>>
    tpu.enqueue_indirect_dma source(%dma_start3A_23 : memref<2600x128xf32, #tpu.memory_space<vmem_shared>>) target(%arg8 : memref<128x128xf32, #tpu.memory_space<vmem>>) offsets(%dma_start3A_20 : memref<128xi32, #tpu.memory_space<vmem>>) semaphore(%arg13 : memref<!tpu.dma_semaphore, #tpu.memory_space<semaphore_mem>>)
    %dma_start3A_24 = arith.constant 384 : i32
    %dma_start3A_25 = tpu.memref_slice %arg5[%dma_start3A_24] : memref<13312xi32, #tpu.memory_space<vmem>> -> memref<128xi32, #tpu.memory_space<vmem>>
    %dma_start3A_26 = arith.constant 0 : i32
    %dma_start3A_27 = arith.constant 0 : i32
    %dma_start3A_28 = tpu.memref_slice %arg10[%dma_start3A_26, %dma_start3A_27] : memref<2600x128xf32, #tpu.memory_space<vmem_shared>> -> memref<2600x128xf32, #tpu.memory_space<vmem_shared>>
    tpu.enqueue_indirect_dma source(%dma_start3A_28 : memref<2600x128xf32, #tpu.memory_space<vmem_shared>>) target(%arg9 : memref<128x128xf32, #tpu.memory_space<vmem>>) offsets(%dma_start3A_25 : memref<128xi32, #tpu.memory_space<vmem>>) semaphore(%arg14 : memref<!tpu.dma_semaphore, #tpu.memory_space<semaphore_mem>>)
    %scan3A = arith.constant 0 : i32
    %scan3A_29 = arith.constant 0 : i32
    %scan3A_30 = arith.constant 26 : i32
    %scan3A_31 = arith.addi %scan3A_29, %scan3A_30 : i32
    %scan3A_32 = arith.constant 1 : i32
    scf.for %scan3A_58 = %scan3A_29 to %scan3A_31 step %scan3A_32  : i32 {
      %mul3A_59 = arith.constant 4 : i32
      %mul3A_60 = arith.muli %scan3A_58, %mul3A_59 : i32
      %add3A_61 = arith.constant 0 : i32
      %add3A_62 = arith.addi %mul3A_60, %add3A_61 : i32
      %mul3A_63 = arith.constant 128 : i32
      %mul3A_64 = arith.muli %add3A_62, %mul3A_63 : i32
      %dma_wait3A_65 = tpu.memref_slice %arg5[%mul3A_64] : memref<13312xi32, #tpu.memory_space<vmem>> -> memref<128xi32, #tpu.memory_space<vmem>>
      %dma_wait3A_66 = arith.constant 0 : i32
      %dma_wait3A_67 = arith.constant 0 : i32
      %dma_wait3A_68 = tpu.memref_slice %arg10[%dma_wait3A_66, %dma_wait3A_67] : memref<2600x128xf32, #tpu.memory_space<vmem_shared>> -> memref<2600x128xf32, #tpu.memory_space<vmem_shared>>
      tpu.wait_indirect_dma semaphore(%arg11 : memref<!tpu.dma_semaphore, #tpu.memory_space<semaphore_mem>>) src(%dma_wait3A_68 : memref<2600x128xf32, #tpu.memory_space<vmem_shared>>) dst(%arg6 : memref<128x128xf32, #tpu.memory_space<vmem>>)
      %mul3A_69 = arith.constant 128 : i32
      %mul3A_70 = arith.muli %add3A_62, %mul3A_69 : i32
      %add3A_71 = arith.addi %mul3A_2, %mul3A_70 : i32
      %dma_start3A_72 = arith.constant 0 : i32
      %dma_start3A_73 = tpu.memref_slice %arg4[%add3A_71, %dma_start3A_72] : memref<425984x128xf32, #tpu.memory_space<hbm>> -> memref<128x128xf32, #tpu.memory_space<hbm>>
      %dma_start3A_74 = arith.constant 0 : i32
      %dma_start3A_75 = tpu.memref_slice %arg4[%add3A_71, %dma_start3A_74] : memref<425984x128xf32, #tpu.memory_space<hbm>> -> memref<128x128xf32, #tpu.memory_space<hbm>>
      tpu.enqueue_dma source(%arg6 : memref<128x128xf32, #tpu.memory_space<vmem>>) target(%dma_start3A_75 : memref<128x128xf32, #tpu.memory_space<hbm>>) target_semaphore(%arg15 : memref<!tpu.dma_semaphore, #tpu.memory_space<semaphore_mem>>)
      %add3A_76 = arith.constant 4 : i32
      %add3A_77 = arith.addi %add3A_62, %add3A_76 : i32
      %lt3A = arith.constant 104 : i32
      %lt3A_78 = arith.cmpi slt, %add3A_77, %lt3A : i32
      %convert_element_type3A_79 = arith.extui %lt3A_78 : i1 to i32
      %cond3A_80 = arith.constant 0 : i32
      %cond3A_81 = arith.cmpi ne, %convert_element_type3A_79, %cond3A_80 : i32
      scf.if %cond3A_81 {
        %mul3A_154 = arith.constant 128 : i32
        %mul3A_155 = arith.muli %add3A_62, %mul3A_154 : i32
        %add3A_156 = arith.addi %mul3A_2, %mul3A_155 : i32
        %dma_wait3A_157 = arith.constant 0 : i32
        %dma_wait3A_158 = tpu.memref_slice %arg4[%add3A_156, %dma_wait3A_157] : memref<425984x128xf32, #tpu.memory_space<hbm>> -> memref<128x128xf32, #tpu.memory_space<hbm>>
        %dma_wait3A_159 = arith.constant 0 : i32
        %dma_wait3A_160 = tpu.memref_slice %arg4[%add3A_156, %dma_wait3A_159] : memref<425984x128xf32, #tpu.memory_space<hbm>> -> memref<128x128xf32, #tpu.memory_space<hbm>>
        tpu.wait_dma2 semaphore(%arg15 : memref<!tpu.dma_semaphore, #tpu.memory_space<semaphore_mem>>) src(%arg6 : memref<128x128xf32, #tpu.memory_space<vmem>>) dst(%dma_wait3A_160 : memref<128x128xf32, #tpu.memory_space<hbm>>)
        %add3A_161 = arith.constant 4 : i32
        %add3A_162 = arith.addi %add3A_62, %add3A_161 : i32
        %mul3A_163 = arith.constant 128 : i32
        %mul3A_164 = arith.muli %add3A_162, %mul3A_163 : i32
        %dma_start3A_165 = tpu.memref_slice %arg5[%mul3A_164] : memref<13312xi32, #tpu.memory_space<vmem>> -> memref<128xi32, #tpu.memory_space<vmem>>
        %dma_start3A_166 = arith.constant 0 : i32
        %dma_start3A_167 = arith.constant 0 : i32
        %dma_start3A_168 = tpu.memref_slice %arg10[%dma_start3A_166, %dma_start3A_167] : memref<2600x128xf32, #tpu.memory_space<vmem_shared>> -> memref<2600x128xf32, #tpu.memory_space<vmem_shared>>
        tpu.enqueue_indirect_dma source(%dma_start3A_168 : memref<2600x128xf32, #tpu.memory_space<vmem_shared>>) target(%arg6 : memref<128x128xf32, #tpu.memory_space<vmem>>) offsets(%dma_start3A_165 : memref<128xi32, #tpu.memory_space<vmem>>) semaphore(%arg11 : memref<!tpu.dma_semaphore, #tpu.memory_space<semaphore_mem>>)
      } else {
      }
      %mul3A_82 = arith.constant 4 : i32
      %mul3A_83 = arith.muli %scan3A_58, %mul3A_82 : i32
      %add3A_84 = arith.constant 1 : i32
      %add3A_85 = arith.addi %mul3A_83, %add3A_84 : i32
      %mul3A_86 = arith.constant 128 : i32
      %mul3A_87 = arith.muli %add3A_85, %mul3A_86 : i32
      %dma_wait3A_88 = tpu.memref_slice %arg5[%mul3A_87] : memref<13312xi32, #tpu.memory_space<vmem>> -> memref<128xi32, #tpu.memory_space<vmem>>
      %dma_wait3A_89 = arith.constant 0 : i32
      %dma_wait3A_90 = arith.constant 0 : i32
      %dma_wait3A_91 = tpu.memref_slice %arg10[%dma_wait3A_89, %dma_wait3A_90] : memref<2600x128xf32, #tpu.memory_space<vmem_shared>> -> memref<2600x128xf32, #tpu.memory_space<vmem_shared>>
      tpu.wait_indirect_dma semaphore(%arg12 : memref<!tpu.dma_semaphore, #tpu.memory_space<semaphore_mem>>) src(%dma_wait3A_91 : memref<2600x128xf32, #tpu.memory_space<vmem_shared>>) dst(%arg7 : memref<128x128xf32, #tpu.memory_space<vmem>>)
      %mul3A_92 = arith.constant 128 : i32
      %mul3A_93 = arith.muli %add3A_85, %mul3A_92 : i32
      %add3A_94 = arith.addi %mul3A_2, %mul3A_93 : i32
      %dma_start3A_95 = arith.constant 0 : i32
      %dma_start3A_96 = tpu.memref_slice %arg4[%add3A_94, %dma_start3A_95] : memref<425984x128xf32, #tpu.memory_space<hbm>> -> memref<128x128xf32, #tpu.memory_space<hbm>>
      %dma_start3A_97 = arith.constant 0 : i32
      %dma_start3A_98 = tpu.memref_slice %arg4[%add3A_94, %dma_start3A_97] : memref<425984x128xf32, #tpu.memory_space<hbm>> -> memref<128x128xf32, #tpu.memory_space<hbm>>
      tpu.enqueue_dma source(%arg7 : memref<128x128xf32, #tpu.memory_space<vmem>>) target(%dma_start3A_98 : memref<128x128xf32, #tpu.memory_space<hbm>>) target_semaphore(%arg16 : memref<!tpu.dma_semaphore, #tpu.memory_space<semaphore_mem>>)
      %add3A_99 = arith.constant 4 : i32
      %add3A_100 = arith.addi %add3A_85, %add3A_99 : i32
      %lt3A_101 = arith.constant 104 : i32
      %lt3A_102 = arith.cmpi slt, %add3A_100, %lt3A_101 : i32
      %convert_element_type3A_103 = arith.extui %lt3A_102 : i1 to i32
      %cond3A_104 = arith.constant 0 : i32
      %cond3A_105 = arith.cmpi ne, %convert_element_type3A_103, %cond3A_104 : i32
      scf.if %cond3A_105 {
        %mul3A_154 = arith.constant 128 : i32
        %mul3A_155 = arith.muli %add3A_85, %mul3A_154 : i32
        %add3A_156 = arith.addi %mul3A_2, %mul3A_155 : i32
        %dma_wait3A_157 = arith.constant 0 : i32
        %dma_wait3A_158 = tpu.memref_slice %arg4[%add3A_156, %dma_wait3A_157] : memref<425984x128xf32, #tpu.memory_space<hbm>> -> memref<128x128xf32, #tpu.memory_space<hbm>>
        %dma_wait3A_159 = arith.constant 0 : i32
        %dma_wait3A_160 = tpu.memref_slice %arg4[%add3A_156, %dma_wait3A_159] : memref<425984x128xf32, #tpu.memory_space<hbm>> -> memref<128x128xf32, #tpu.memory_space<hbm>>
        tpu.wait_dma2 semaphore(%arg16 : memref<!tpu.dma_semaphore, #tpu.memory_space<semaphore_mem>>) src(%arg7 : memref<128x128xf32, #tpu.memory_space<vmem>>) dst(%dma_wait3A_160 : memref<128x128xf32, #tpu.memory_space<hbm>>)
        %add3A_161 = arith.constant 4 : i32
        %add3A_162 = arith.addi %add3A_85, %add3A_161 : i32
        %mul3A_163 = arith.constant 128 : i32
        %mul3A_164 = arith.muli %add3A_162, %mul3A_163 : i32
        %dma_start3A_165 = tpu.memref_slice %arg5[%mul3A_164] : memref<13312xi32, #tpu.memory_space<vmem>> -> memref<128xi32, #tpu.memory_space<vmem>>
        %dma_start3A_166 = arith.constant 0 : i32
        %dma_start3A_167 = arith.constant 0 : i32
        %dma_start3A_168 = tpu.memref_slice %arg10[%dma_start3A_166, %dma_start3A_167] : memref<2600x128xf32, #tpu.memory_space<vmem_shared>> -> memref<2600x128xf32, #tpu.memory_space<vmem_shared>>
        tpu.enqueue_indirect_dma source(%dma_start3A_168 : memref<2600x128xf32, #tpu.memory_space<vmem_shared>>) target(%arg7 : memref<128x128xf32, #tpu.memory_space<vmem>>) offsets(%dma_start3A_165 : memref<128xi32, #tpu.memory_space<vmem>>) semaphore(%arg12 : memref<!tpu.dma_semaphore, #tpu.memory_space<semaphore_mem>>)
      } else {
      }
      %mul3A_106 = arith.constant 4 : i32
      %mul3A_107 = arith.muli %scan3A_58, %mul3A_106 : i32
      %add3A_108 = arith.constant 2 : i32
      %add3A_109 = arith.addi %mul3A_107, %add3A_108 : i32
      %mul3A_110 = arith.constant 128 : i32
      %mul3A_111 = arith.muli %add3A_109, %mul3A_110 : i32
      %dma_wait3A_112 = tpu.memref_slice %arg5[%mul3A_111] : memref<13312xi32, #tpu.memory_space<vmem>> -> memref<128xi32, #tpu.memory_space<vmem>>
      %dma_wait3A_113 = arith.constant 0 : i32
      %dma_wait3A_114 = arith.constant 0 : i32
      %dma_wait3A_115 = tpu.memref_slice %arg10[%dma_wait3A_113, %dma_wait3A_114] : memref<2600x128xf32, #tpu.memory_space<vmem_shared>> -> memref<2600x128xf32, #tpu.memory_space<vmem_shared>>
      tpu.wait_indirect_dma semaphore(%arg13 : memref<!tpu.dma_semaphore, #tpu.memory_space<semaphore_mem>>) src(%dma_wait3A_115 : memref<2600x128xf32, #tpu.memory_space<vmem_shared>>) dst(%arg8 : memref<128x128xf32, #tpu.memory_space<vmem>>)
      %mul3A_116 = arith.constant 128 : i32
      %mul3A_117 = arith.muli %add3A_109, %mul3A_116 : i32
      %add3A_118 = arith.addi %mul3A_2, %mul3A_117 : i32
      %dma_start3A_119 = arith.constant 0 : i32
      %dma_start3A_120 = tpu.memref_slice %arg4[%add3A_118, %dma_start3A_119] : memref<425984x128xf32, #tpu.memory_space<hbm>> -> memref<128x128xf32, #tpu.memory_space<hbm>>
      %dma_start3A_121 = arith.constant 0 : i32
      %dma_start3A_122 = tpu.memref_slice %arg4[%add3A_118, %dma_start3A_121] : memref<425984x128xf32, #tpu.memory_space<hbm>> -> memref<128x128xf32, #tpu.memory_space<hbm>>
      tpu.enqueue_dma source(%arg8 : memref<128x128xf32, #tpu.memory_space<vmem>>) target(%dma_start3A_122 : memref<128x128xf32, #tpu.memory_space<hbm>>) target_semaphore(%arg17 : memref<!tpu.dma_semaphore, #tpu.memory_space<semaphore_mem>>)
      %add3A_123 = arith.constant 4 : i32
      %add3A_124 = arith.addi %add3A_109, %add3A_123 : i32
      %lt3A_125 = arith.constant 104 : i32
      %lt3A_126 = arith.cmpi slt, %add3A_124, %lt3A_125 : i32
      %convert_element_type3A_127 = arith.extui %lt3A_126 : i1 to i32
      %cond3A_128 = arith.constant 0 : i32
      %cond3A_129 = arith.cmpi ne, %convert_element_type3A_127, %cond3A_128 : i32
      scf.if %cond3A_129 {
        %mul3A_154 = arith.constant 128 : i32
        %mul3A_155 = arith.muli %add3A_109, %mul3A_154 : i32
        %add3A_156 = arith.addi %mul3A_2, %mul3A_155 : i32
        %dma_wait3A_157 = arith.constant 0 : i32
        %dma_wait3A_158 = tpu.memref_slice %arg4[%add3A_156, %dma_wait3A_157] : memref<425984x128xf32, #tpu.memory_space<hbm>> -> memref<128x128xf32, #tpu.memory_space<hbm>>
        %dma_wait3A_159 = arith.constant 0 : i32
        %dma_wait3A_160 = tpu.memref_slice %arg4[%add3A_156, %dma_wait3A_159] : memref<425984x128xf32, #tpu.memory_space<hbm>> -> memref<128x128xf32, #tpu.memory_space<hbm>>
        tpu.wait_dma2 semaphore(%arg17 : memref<!tpu.dma_semaphore, #tpu.memory_space<semaphore_mem>>) src(%arg8 : memref<128x128xf32, #tpu.memory_space<vmem>>) dst(%dma_wait3A_160 : memref<128x128xf32, #tpu.memory_space<hbm>>)
        %add3A_161 = arith.constant 4 : i32
        %add3A_162 = arith.addi %add3A_109, %add3A_161 : i32
        %mul3A_163 = arith.constant 128 : i32
        %mul3A_164 = arith.muli %add3A_162, %mul3A_163 : i32
        %dma_start3A_165 = tpu.memref_slice %arg5[%mul3A_164] : memref<13312xi32, #tpu.memory_space<vmem>> -> memref<128xi32, #tpu.memory_space<vmem>>
        %dma_start3A_166 = arith.constant 0 : i32
        %dma_start3A_167 = arith.constant 0 : i32
        %dma_start3A_168 = tpu.memref_slice %arg10[%dma_start3A_166, %dma_start3A_167] : memref<2600x128xf32, #tpu.memory_space<vmem_shared>> -> memref<2600x128xf32, #tpu.memory_space<vmem_shared>>
        tpu.enqueue_indirect_dma source(%dma_start3A_168 : memref<2600x128xf32, #tpu.memory_space<vmem_shared>>) target(%arg8 : memref<128x128xf32, #tpu.memory_space<vmem>>) offsets(%dma_start3A_165 : memref<128xi32, #tpu.memory_space<vmem>>) semaphore(%arg13 : memref<!tpu.dma_semaphore, #tpu.memory_space<semaphore_mem>>)
      } else {
      }
      %mul3A_130 = arith.constant 4 : i32
      %mul3A_131 = arith.muli %scan3A_58, %mul3A_130 : i32
      %add3A_132 = arith.constant 3 : i32
      %add3A_133 = arith.addi %mul3A_131, %add3A_132 : i32
      %mul3A_134 = arith.constant 128 : i32
      %mul3A_135 = arith.muli %add3A_133, %mul3A_134 : i32
      %dma_wait3A_136 = tpu.memref_slice %arg5[%mul3A_135] : memref<13312xi32, #tpu.memory_space<vmem>> -> memref<128xi32, #tpu.memory_space<vmem>>
      %dma_wait3A_137 = arith.constant 0 : i32
      %dma_wait3A_138 = arith.constant 0 : i32
      %dma_wait3A_139 = tpu.memref_slice %arg10[%dma_wait3A_137, %dma_wait3A_138] : memref<2600x128xf32, #tpu.memory_space<vmem_shared>> -> memref<2600x128xf32, #tpu.memory_space<vmem_shared>>
      tpu.wait_indirect_dma semaphore(%arg14 : memref<!tpu.dma_semaphore, #tpu.memory_space<semaphore_mem>>) src(%dma_wait3A_139 : memref<2600x128xf32, #tpu.memory_space<vmem_shared>>) dst(%arg9 : memref<128x128xf32, #tpu.memory_space<vmem>>)
      %mul3A_140 = arith.constant 128 : i32
      %mul3A_141 = arith.muli %add3A_133, %mul3A_140 : i32
      %add3A_142 = arith.addi %mul3A_2, %mul3A_141 : i32
      %dma_start3A_143 = arith.constant 0 : i32
      %dma_start3A_144 = tpu.memref_slice %arg4[%add3A_142, %dma_start3A_143] : memref<425984x128xf32, #tpu.memory_space<hbm>> -> memref<128x128xf32, #tpu.memory_space<hbm>>
      %dma_start3A_145 = arith.constant 0 : i32
      %dma_start3A_146 = tpu.memref_slice %arg4[%add3A_142, %dma_start3A_145] : memref<425984x128xf32, #tpu.memory_space<hbm>> -> memref<128x128xf32, #tpu.memory_space<hbm>>
      tpu.enqueue_dma source(%arg9 : memref<128x128xf32, #tpu.memory_space<vmem>>) target(%dma_start3A_146 : memref<128x128xf32, #tpu.memory_space<hbm>>) target_semaphore(%arg18 : memref<!tpu.dma_semaphore, #tpu.memory_space<semaphore_mem>>)
      %add3A_147 = arith.constant 4 : i32
      %add3A_148 = arith.addi %add3A_133, %add3A_147 : i32
      %lt3A_149 = arith.constant 104 : i32
      %lt3A_150 = arith.cmpi slt, %add3A_148, %lt3A_149 : i32
      %convert_element_type3A_151 = arith.extui %lt3A_150 : i1 to i32
      %cond3A_152 = arith.constant 0 : i32
      %cond3A_153 = arith.cmpi ne, %convert_element_type3A_151, %cond3A_152 : i32
      scf.if %cond3A_153 {
        %mul3A_154 = arith.constant 128 : i32
        %mul3A_155 = arith.muli %add3A_133, %mul3A_154 : i32
        %add3A_156 = arith.addi %mul3A_2, %mul3A_155 : i32
        %dma_wait3A_157 = arith.constant 0 : i32
        %dma_wait3A_158 = tpu.memref_slice %arg4[%add3A_156, %dma_wait3A_157] : memref<425984x128xf32, #tpu.memory_space<hbm>> -> memref<128x128xf32, #tpu.memory_space<hbm>>
        %dma_wait3A_159 = arith.constant 0 : i32
        %dma_wait3A_160 = tpu.memref_slice %arg4[%add3A_156, %dma_wait3A_159] : memref<425984x128xf32, #tpu.memory_space<hbm>> -> memref<128x128xf32, #tpu.memory_space<hbm>>
        tpu.wait_dma2 semaphore(%arg18 : memref<!tpu.dma_semaphore, #tpu.memory_space<semaphore_mem>>) src(%arg9 : memref<128x128xf32, #tpu.memory_space<vmem>>) dst(%dma_wait3A_160 : memref<128x128xf32, #tpu.memory_space<hbm>>)
        %add3A_161 = arith.constant 4 : i32
        %add3A_162 = arith.addi %add3A_133, %add3A_161 : i32
        %mul3A_163 = arith.constant 128 : i32
        %mul3A_164 = arith.muli %add3A_162, %mul3A_163 : i32
        %dma_start3A_165 = tpu.memref_slice %arg5[%mul3A_164] : memref<13312xi32, #tpu.memory_space<vmem>> -> memref<128xi32, #tpu.memory_space<vmem>>
        %dma_start3A_166 = arith.constant 0 : i32
        %dma_start3A_167 = arith.constant 0 : i32
        %dma_start3A_168 = tpu.memref_slice %arg10[%dma_start3A_166, %dma_start3A_167] : memref<2600x128xf32, #tpu.memory_space<vmem_shared>> -> memref<2600x128xf32, #tpu.memory_space<vmem_shared>>
        tpu.enqueue_indirect_dma source(%dma_start3A_168 : memref<2600x128xf32, #tpu.memory_space<vmem_shared>>) target(%arg9 : memref<128x128xf32, #tpu.memory_space<vmem>>) offsets(%dma_start3A_165 : memref<128xi32, #tpu.memory_space<vmem>>) semaphore(%arg14 : memref<!tpu.dma_semaphore, #tpu.memory_space<semaphore_mem>>)
      } else {
      }
    }
    %scan3A_33 = arith.constant 26 : i32
    %add3A_34 = arith.constant 12800 : i32
    %add3A_35 = arith.addi %mul3A_2, %add3A_34 : i32
    %dma_wait3A_36 = arith.constant 0 : i32
    %dma_wait3A_37 = tpu.memref_slice %arg4[%add3A_35, %dma_wait3A_36] : memref<425984x128xf32, #tpu.memory_space<hbm>> -> memref<128x128xf32, #tpu.memory_space<hbm>>
    %dma_wait3A_38 = arith.constant 0 : i32
    %dma_wait3A_39 = tpu.memref_slice %arg4[%add3A_35, %dma_wait3A_38] : memref<425984x128xf32, #tpu.memory_space<hbm>> -> memref<128x128xf32, #tpu.memory_space<hbm>>
    tpu.wait_dma2 semaphore(%arg15 : memref<!tpu.dma_semaphore, #tpu.memory_space<semaphore_mem>>) src(%arg6 : memref<128x128xf32, #tpu.memory_space<vmem>>) dst(%dma_wait3A_39 : memref<128x128xf32, #tpu.memory_space<hbm>>)
    %add3A_40 = arith.constant 12928 : i32
    %add3A_41 = arith.addi %mul3A_2, %add3A_40 : i32
    %dma_wait3A_42 = arith.constant 0 : i32
    %dma_wait3A_43 = tpu.memref_slice %arg4[%add3A_41, %dma_wait3A_42] : memref<425984x128xf32, #tpu.memory_space<hbm>> -> memref<128x128xf32, #tpu.memory_space<hbm>>
    %dma_wait3A_44 = arith.constant 0 : i32
    %dma_wait3A_45 = tpu.memref_slice %arg4[%add3A_41, %dma_wait3A_44] : memref<425984x128xf32, #tpu.memory_space<hbm>> -> memref<128x128xf32, #tpu.memory_space<hbm>>
    tpu.wait_dma2 semaphore(%arg16 : memref<!tpu.dma_semaphore, #tpu.memory_space<semaphore_mem>>) src(%arg7 : memref<128x128xf32, #tpu.memory_space<vmem>>) dst(%dma_wait3A_45 : memref<128x128xf32, #tpu.memory_space<hbm>>)
    %add3A_46 = arith.constant 13056 : i32
    %add3A_47 = arith.addi %mul3A_2, %add3A_46 : i32
    %dma_wait3A_48 = arith.constant 0 : i32
    %dma_wait3A_49 = tpu.memref_slice %arg4[%add3A_47, %dma_wait3A_48] : memref<425984x128xf32, #tpu.memory_space<hbm>> -> memref<128x128xf32, #tpu.memory_space<hbm>>
    %dma_wait3A_50 = arith.constant 0 : i32
    %dma_wait3A_51 = tpu.memref_slice %arg4[%add3A_47, %dma_wait3A_50] : memref<425984x128xf32, #tpu.memory_space<hbm>> -> memref<128x128xf32, #tpu.memory_space<hbm>>
    tpu.wait_dma2 semaphore(%arg17 : memref<!tpu.dma_semaphore, #tpu.memory_space<semaphore_mem>>) src(%arg8 : memref<128x128xf32, #tpu.memory_space<vmem>>) dst(%dma_wait3A_51 : memref<128x128xf32, #tpu.memory_space<hbm>>)
    %add3A_52 = arith.constant 13184 : i32
    %add3A_53 = arith.addi %mul3A_2, %add3A_52 : i32
    %dma_wait3A_54 = arith.constant 0 : i32
    %dma_wait3A_55 = tpu.memref_slice %arg4[%add3A_53, %dma_wait3A_54] : memref<425984x128xf32, #tpu.memory_space<hbm>> -> memref<128x128xf32, #tpu.memory_space<hbm>>
    %dma_wait3A_56 = arith.constant 0 : i32
    %dma_wait3A_57 = tpu.memref_slice %arg4[%add3A_53, %dma_wait3A_56] : memref<425984x128xf32, #tpu.memory_space<hbm>> -> memref<128x128xf32, #tpu.memory_space<hbm>>
    tpu.wait_dma2 semaphore(%arg18 : memref<!tpu.dma_semaphore, #tpu.memory_space<semaphore_mem>>) src(%arg9 : memref<128x128xf32, #tpu.memory_space<vmem>>) dst(%dma_wait3A_57 : memref<128x128xf32, #tpu.memory_space<hbm>>)
    return
  }
}

</mosaic_0001>

<sc_bundles>
// kernel: kernel.3.cloned.1.call-start
scs
__scs_entry_jumppad:
0x0: {  	(pc) =	sbr.rel $0x88, $3  }
0x1: {  	(tag) =	ssettag $0x0;
	lr =	simm.s32 $0x1  }
0x2: {  	[smem:$0x3F9F] =	sst lr;
	_ =	strace $0xD0000000  }
0x3: {  	_ = 	snop  }
0x4: {  	_ = 	snop  }
0x5: {  	_ = 	snop  }
0x6: {  	_ = 	snop  }
0x7: {  	_ = 	snop  }
__scs_overlays_trampoline_lowered:
0x8: {  	[smem:$0x3FAE] =	sst s0  }
0x9: {  	[smem:$0x3FAF] =	sst s1  }
0xa: {  	[smem:$0x3FB0] =	sst s2  }
0xb: {  	[smem:$0x3FB1] =	sst s3  }
0xc: {  	[smem:$0x3FB2] =	sst s4  }
0xd: {  	[smem:$0x3FB3] =	sst s5  }
0xe: {  	[smem:$0x3FB4] =	sst s6  }
0xf: {  	[smem:$0x3FB5] =	sst s7  }
0x10: {  	[smem:$0x3FB6] =	sst s8  }
0x11: {  	[smem:$0x3FB7] =	sst s9;
	s0 =	simm.s32 @!p0 $0x0  }
0x12: {  	s1 =	sld [smem:$0x3F9D];
	s0 =	simm.s32 @p0 $0x1  }
0x13: {  	[smem:$0x3FB8] =	sst s0;
	s0 =	simm.s32 @!p1 $0x0  }
0x14: {  	s2 =	sld [smem:$0x3F9C];
	s0 =	simm.s32 @p1 $0x1  }
0x15: {  	[smem:$0x3FB9] =	sst s0;
	s0 =	simm.s32 @!p2 $0x0  }
0x16: {  	s3 =	sld [smem:$0x3FDB];
	s0 =	simm.s32 @p2 $0x1  }
0x17: {  	s4 =	simm.s32 $0x1BF5;
	[smem:$0x3FBB] =	sst s0  }
0x18: {  	s0 =	sld [smem:$0x3F9E];
	_ =	swait.ge [sflag:s4], $0x0  }
0x19: {  	s7 =	sld [smem:$0x3F9F]  }
0x1a: {  	s8 =	sadd.s32 $0xFFFFE003, lr  }
0x1b: {  	s9 =	sadd.s32 $0xFFFFFEF7, lr;
	s5 =	simm.s32 $0xFFFFFFFF;
	p2 =	slt.u32 s8, $0xFFFFF086  }
0x1c: {  	p1 =	slt.u32 s9, $0xF7A;
	s5 =	simm.s32 @!p2 $0x0  }
0x1d: {  	s5 =	simm.s32 @p1 $0x1;
	p0 =	seq.s32 s7, s2  }
0x1e: {  	s7 =	smul.u32 @!p0 $0xF7A, s2;
	p2 =	seq.s32 @!p0 s5, $0x0  }
0x1f: {  	s9 =	smul.u32 $0xF7A, s1;
	s8 =	simm.s32 @!p0 $0x1BF5;
	p2 =	por !p2, p0  }
0x20: {  	[sflag:s8] =	ssyncset.s32 @!p0 $0xFFFFF086;
	s6 =	sadd.s32 @!p0 s3, s7;
	s7 =	simm.s32 @!p0 $0x108  }
0x21: {  	s3 =	sadd.s32 s3, s9;
	s6 =	sadd.s32 @!p0 $0x88, s6;
	s7 =	simm.s32 @p2 $0x1082  }
0x22: {  	[simem:s7], [sflag:s8] =	dma.local @!p0 [hbm:s6], $0xF7A  }
0x23: {  	s9 =	sor.u32 $0xD0000000, s2;
	s6 =	simm.s32 $0x108;
	_ =	swait.ge @!p0 [sflag:s8], $0x0  }
0x24: {  	s3 =	sadd.s32 $0x88, s3;
	s6 =	simm.s32 @!p1 $0x1082;
	[sflag:s4] =	ssyncset.s32 $0xFFFFF086  }
0x25: {  	[simem:s6], [sflag:s4] =	dma.local [hbm:s3], $0xF7A  }
0x26: {  	[smem:$0x3F9F] =	sst s1;
	(tag) =	ssettag s2;
	_ =	strace s9  }
0x27: {  	s1 =	sld [smem:$0x3FAF]  }
0x28: {  	s2 =	sld [smem:$0x3FB0]  }
0x29: {  	s4 =	sld [smem:$0x3FB2]  }
0x2a: {  	p0 =	seq.s32 s5, $0x0;
	s5 =	sld [smem:$0x3FB3]  }
0x2b: {  	s6 =	sld [smem:$0x3FB4]  }
0x2c: {  	s7 =	sld [smem:$0x3FB5]  }
0x2d: {  	s3 =	simm.s32 $0x108;
	s8 =	sld [smem:$0x3FB6]  }
0x2e: {  	s3 =	simm.s32 @!p0 $0x1082;
	s9 =	sld [smem:$0x3FB7]  }
0x2f: {  	lr =	sadd.s32 s0, s3;
	s0 =	sld [smem:$0x3FAE]  }
0x30: {  	s3 =	sld [smem:$0x3FB1]  }
0x31: {  	[smem:$0x3FBA] =	sst s10  }
0x32: {  	s10 =	sld [smem:$0x3FB8];
	_ =	sdelay $0x3  }
0x33: {  	p0 =	seq.s32 s10, $0x1;
	s10 =	sld [smem:$0x3FBA];
	_ =	sdelay $0x3  }
0x34: {  	[smem:$0x3FBA] =	sst s10  }
0x35: {  	s10 =	sld [smem:$0x3FB9];
	_ =	sdelay $0x3  }
0x36: {  	p1 =	seq.s32 s10, $0x1;
	s10 =	sld [smem:$0x3FBA];
	_ =	sdelay $0x3  }
0x37: {  	[smem:$0x3FBA] =	sst s10  }
0x38: {  	s10 =	sld [smem:$0x3FBB]  }
0x39: {  	_ = 	snop;
	(pc) =	sbr.ind lr, $3  }
0x3a: {  	_ = 	snop  }
0x3b: {  	_ = 	snop  }
0x3c: {  	p2 =	seq.s32 s10, $0x1;
	s10 =	sld [smem:$0x3FBA]  }
0x3d: {  	_ =	shalt  }
0x3e: {  	_ =	shalt  }
0x3f: {  	_ =	shalt  }
0x40: {  	_ =	shalt  }
0x41: {  	_ =	shalt  }
0x42: {  	_ =	shalt  }
0x43: {  	_ =	shalt  }
0x44: {  	_ =	shalt  }
0x45: {  	_ =	shalt  }
0x46: {  	_ =	shalt  }
0x47: {  	_ =	shalt  }
0x48: {  	_ =	shalt  }
0x49: {  	_ =	shalt  }
0x4a: {  	_ =	shalt  }
0x4b: {  	_ =	shalt  }
0x4c: {  	_ =	shalt  }
0x4d: {  	_ =	shalt  }
0x4e: {  	_ =	shalt  }
0x4f: {  	_ =	shalt  }
0x50: {  	_ =	shalt  }
0x51: {  	_ =	shalt  }
0x52: {  	_ =	shalt  }
0x53: {  	_ =	shalt  }
0x54: {  	_ =	shalt  }
0x55: {  	_ =	shalt  }
0x56: {  	_ =	shalt  }
0x57: {  	_ =	shalt  }
0x58: {  	_ =	shalt  }
0x59: {  	_ =	shalt  }
0x5a: {  	_ =	shalt  }
0x5b: {  	_ =	shalt  }
0x5c: {  	_ =	shalt  }
0x5d: {  	_ =	shalt  }
0x5e: {  	_ =	shalt  }
0x5f: {  	_ =	shalt  }
0x60: {  	_ =	shalt  }
0x61: {  	_ =	shalt  }
0x62: {  	_ =	shalt  }
0x63: {  	_ =	shalt  }
0x64: {  	_ =	shalt  }
0x65: {  	_ =	shalt  }
0x66: {  	_ =	shalt  }
0x67: {  	_ =	shalt  }
0x68: {  	_ =	shalt  }
0x69: {  	_ =	shalt  }
0x6a: {  	_ =	shalt  }
0x6b: {  	_ =	shalt  }
0x6c: {  	_ =	shalt  }
0x6d: {  	_ =	shalt  }
0x6e: {  	_ =	shalt  }
0x6f: {  	_ =	shalt  }
0x70: {  	_ =	shalt  }
0x71: {  	_ =	shalt  }
0x72: {  	_ =	shalt  }
0x73: {  	_ =	shalt  }
0x74: {  	_ =	shalt  }
0x75: {  	_ =	shalt  }
0x76: {  	_ =	shalt  }
0x77: {  	_ =	shalt  }
0x78: {  	_ =	shalt  }
0x79: {  	_ =	shalt  }
0x7a: {  	_ =	shalt  }
0x7b: {  	_ =	shalt  }
0x7c: {  	_ =	shalt  }
0x7d: {  	_ =	shalt  }
0x7e: {  	_ =	shalt  }
0x7f: {  	_ =	shalt  }
0x80: {  	_ =	shalt  }
0x81: {  	_ =	shalt  }
0x82: {  	_ =	shalt  }
0x83: {  	_ =	shalt  }
0x84: {  	_ =	shalt  }
0x85: {  	_ =	shalt  }
0x86: {  	_ =	shalt  }
0x87: {  	_ =	shalt  }
.Lfunc_end0:
.L_simem_size_0:
called_computation_lowered:
.L_overlay_start_0:
0x88: {  	s2 =	sld [smem:$0x3FD9]  }
0x89: {  	s3 =	sld [smem:$0x3FFE];
	_ =	sdelay $0x1  }
0x8a: {  	s1 =	srdreg.scid  }
0x8b: {  	s0 =	sand.u32 $0x1, s1  }
0x8c: {  	s17 =	sshll.u32 s0, $0xA;
	s2 =	sadd.s32 s3, s2  }
0x8d: {  	s2 =	sadd.s32 s2, s17  }
0x8e: {  	[smem:$0x3FC6] =	sst s2  }
0x8f: {  	_ = 	snop  }
0x90: {  	s2 =	sld [smem:$0x3FD0];
	(tm) =	ssettm $0x1  }
0x91: {  	s18 =	sld [smem:$0x3FFB];
	_ =	sdelay $0x3  }
0x92: {  	_ =	strace s18  }
0x93: {  	s3 =	sld [smem:$0x3FFC];
	_ =	sdelay $0x3  }
0x94: {  	_ =	strace s3  }
0x95: {  	s3 =	sld [smem:$0x3FFD];
	_ =	sdelay $0x3  }
0x96: {  	_ =	strace s3  }
0x97: {  	_ =	strace $0x8FFFFFFF  }
0x98: {  	s19 =	sld [smem:$0x3FDB];
	_ =	sdelay $0x1  }
0x99: {  	s4 =	simm.s32 $_scs_section_size  }
0x9a: {  	s5 =	simm.s32 $_size__tile_overlayer_lowered;
	s6 =	simm.s32 $_tile_overlayer_lowered  }
0x9b: {  	s22 =	simm.s32 $0x1BFF;
	s21 =	sshll.u32 s6, $0x1;
	s3 =	sadd.s32 s4, s19  }
0x9c: {  	s7 =	simm.s32 $0x0;
	s20 =	sshll.u32 s5, $0x1;
	s5 =	sadd.s32 s21, s3  }
0x9d: {  	[timem:s7], [sflag:s22] =	dma.local [hbm:s5], s20  }
0x9e: {  	_ =	swait.ge [sflag:s22], s20  }
0x9f: {  	s4 =	ssub.s32 $0x0, s20;
	[sflag:s22] =	ssyncset.done $0x0  }
0xa0: {  	[sflag:s22] =	ssyncadd.s32 s4;
	_ =	sdelay $0x1  }
0xa1: {  	s23 =	simm.s32 $0x1B8B  }
0xa2: {  	_ =	swait.ge [sflag:s23], $0x1  }
0xa3: {  	[sflag:s23] =	ssyncset.done $0x0  }
0xa4: {  	s25 =	simm.s32 $0x1B8E;
	s24 =	sld [smem:$0x3FFE];
	[sflag:s23] =	ssyncadd.s32 $0xFFFFFFFF  }
0xa5: {  	s26 =	simm.s32 $execute0_lowered;
	[smem:$0x3FD2] =	sst s25  }
0xa6: {  	s5 =	sshll.u32 s26, $0x1;
	_ =	strace $0x80000046;
	[dreg:$0x1] =	wrdreg $0xFFFFFFFF  }
0xa7: {  	s28 =	simm.s32 $_size_execute0_lowered;
	s3 =	sadd.s32 s3, s5;
	[dreg:$0x0] =	wrdreg $0x0  }
0xa8: {  	s5 =	sshll.u32 s28, $0x1;
	[dreg:$0x2] =	wrdreg s3  }
0xa9: {  	[dreg:$0x3] =	wrdreg s5  }
0xaa: {  	[dreg:$0x4] =	wrdreg $0xC0  }
0xab: {  	_ =	task [dreg:s7], $0x5FFFF  }
0xac: {  	[dreg:$0x1] =	wrdreg $0xFFFFFFFF  }
0xad: {  	[dreg:$0x0] =	wrdreg $0x60  }
0xae: {  	[dreg:$0x2] =	wrdreg s24  }
0xaf: {  	[dreg:$0x3] =	wrdreg s2  }
0xb0: {  	[dreg:$0x4] =	wrdreg $0x134000  }
0xb1: {  	[dreg:$0x5] =	wrdreg $0x9  }
0xb2: {  	_ =	task.clear_ibuf [dreg:s7], $0x6FFFF;
	_ =	strace $0x90000046  }
0xb3: {  	s29 =	simm.s32 $0x9;
	_ =	strace $0x80000048  }
0xb4: {  	_ =	swait.ge [sflag:s29], $0x1  }
0xb5: {  	[sflag:s29] =	ssyncadd.s32 $0xFFFFFFFF  }
0xb6: {  	_ =	strace $0x90000048  }
0xb7: {  	_ =	sfence  }
0xb8: {  	s30 =	sld [smem:$0x0];
	_ =	sdelay $0x2  }
0xb9: {  	s31 =	sshll.u32 s1, $0xD;
	s1 =	sshrl.u32 s1, $0x2  }
0xba: {  	s3 =	sand.u32 $0x4000, s31;
	s1 =	sadd.s32 s1, s30  }
0xbb: {  	s0 =	sor.u32 s3, s0;
	s1 =	sshll.u32 s1, $0x11  }
0xbc: {  	s0 =	sor.u32 s1, s0  }
0xbd: {  	s0 =	sadd.s32 $0x8F2B, s0  }
0xbe: {  	[sflag:s0] =	ssyncadd.remote.s32 $0x1  }
0xbf: {  	_ =	sfence.sel $0xFFFF  }
0xc0: {  	[dreg:$0x0] =	wrdreg $0xFFFFFFFF;
	(pc) =	sbr.abs _section_cstart, $3  }
0xc1: {  	[dreg:$0x1] =	wrdreg $0xFFFFFFFF  }
0xc2: {  	_ =	task.clear_ibuf [dreg:s7], $0x2FFFF;
	_ =	strace $0x9FFFFFFF  }
0xc3: {  	(tm) =	ssettm $0x7FFFFFFF  }
tec
execute0_lowered:
.L_overlay_start_1:
0x0: {  	(tag) =	ssettag $0x1  }
0x1: {  	s3 =	rddreg [dreg:$0x0];
	s0 =	srdreg.scid  }
0x2: {  	s9 =	stileid.u32;
	s10 =	rddreg [dreg:$0x1]  }
0x3: {  	s1 =	rddreg [dreg:$0x2];
	s2 =	simm.s32 $0x0;
	s14 =	simm.s32 $0x7400  }
0x4: {  	s17 =	simm.s32 $0x180;
	s18 =	simm.s32 $0xF400;
	s7 =	smul.u32 $0x6800, s9  }
0x5: {  	s19 =	simm.s32 $0x1;
	s20 =	simm.s32 $0x2;
	s12 =	smul.u32 $0x340000, s9  }
0x6: {  	s21 =	simm.s32 $0x4;
	s8 =	sand.u32 $0x1, s0;
	s30 =	smul.u32 $0x68000, s9  }
0x7: {  	s22 =	simm.s32 $0x5;
	s23 =	simm.s32 $0x6;
	s29 =	smul.u32 $0x1A0000, s8  }
0x8: {  	s24 =	simm.s32 $0x7;
	s25 =	sshll.u32 s9, $0x1;
	s13 =	smul.u32 $0x3400, s8  }
0x9: {  	[smem:$0x7FF] =	sst s2;
	s4 =	sor.u32 s8, s25;
	s31 =	smul.u32 $0x34000, s8  }
0xa: {  	p0 =	sne.s32 s9, $0x0;
	_ =	strace $0x80000047;
	s5 =	smul.u32 $0x3400, s4  }
0xb: {  	s28 =	ssub.s32 $0x2, s8;
	s25 =	simm.s32 $0x8;
	s6 =	smul.u32 $0x34000, s4  }
0xc: {  	s11 =	sshrl.u32 s28, $0x1;
	s7 =	sadd.s32 s13, s7;
	s5 =	sshrl.u32 s5, $0x3  }
0xd: {  	s13 =	simm.s32 $0x3400;
	s6 =	sadd.s32 s10, s6;
	s26 =	sadd.s32 s5, s3  }
.Ltmp0:
0xe: {  	s3 =	sadd.s32 $0x600, s3;
	s5 =	ssub.s32 s28, s11;
	(pc) =	sbr.rel .LBB2_1-.Ltmp0, $4  }
0xf: {  	s6 =	sadd.s32 $0x33000, s6;
	s11 =	sadd.s32 s29, s12;
	s12 =	simm.s32 $0x80  }
0x10: {  	s4 =	sadd.s32 $0xAA00, s26;
	s5 =	smax.u32 s5, $0x1;
	s11 =	sshrl.u32 s11, $0x3  }
0x11: {  	s26 =	simm.s32 $0x0;
	s8 =	sadd.s32 s11, s10;
	s10 =	sadd.s32 s30, s10  }
0x12: {  	s11 =	simm.s32 $0x9;
	s9 =	sadd.s32 s31, s10;
	s10 =	sshrl.u32 @!p0 s1, $0x3  }
.LBB2_6:
0x13: {  	_ =	swait.ge [sflag:s22], $0x4000  }
0x14: {  	[sflag:s22] =	ssyncset.done $0x0  }
0x15: {  	[sflag:s22] =	ssyncadd.s32 $0xFFFFC000  }
0x16: {  	_ =	swait.ge [sflag:s23], $0x4000  }
0x17: {  	[sflag:s23] =	ssyncset.done $0x0  }
0x18: {  	s26 =	sadd.s32 $0x1, s26;
	[sflag:s23] =	ssyncadd.s32 $0xFFFFC000  }
0x19: {  	p1 =	sne.s32 s26, s5;
	_ =	swait.ge [sflag:s24], $0x4000  }
.Ltmp1:
0x1a: {  	[sflag:s24] =	ssyncset.done $0x0;
	(pc) =	sbr.rel @!p1 .LBB2_7-.Ltmp1, $4  }
0x1b: {  	[sflag:s24] =	ssyncadd.s32 $0xFFFFC000  }
0x1c: {  	_ =	swait.ge [sflag:s25], $0x4000  }
0x1d: {  	[sflag:s25] =	ssyncset.done $0x0  }
0x1e: {  	[sflag:s25] =	ssyncadd.s32 $0xFFFFC000  }
.LBB2_1:
0x1f: {  	s28 =	simm.s32 @!p0 $0x1C0A  }
0x20: {  	[spmem:s10], [sflag:s28] =	dma.local @!p0 [hbm:s3], $0xA280  }
0x21: {  	s28 =	simm.s32 @!p0 $0xA  }
0x22: {  	_ =	swait.ge @!p0 [sflag:s28], $0xA280  }
0x23: {  	[sflag:s28] =	ssyncset.done @!p0 $0x0  }
0x24: {  	[sflag:s28] =	ssyncadd.s32 @!p0 $0xFFFF5D80  }
0x25: {  	[tilespmem:s2], [sflag:$0x9] =	stream.linear.gather [hbm4b:s4+s2], $0x3400, $0x38;
	[tilespmem:$0x18540] =	vst v63  }
0x26: {  	_ =	swait.ge [sflag:s11], $0x3400  }
0x27: {  	v0 =	vmov s7;
	[sflag:s11] =	ssyncset.done $0x0  }
0x28: {  	v0 =	vshrl.u32 v0, $0xE;
	s28 =	simm.s32 $0x0;
	[sflag:s11] =	ssyncadd.s32 $0xFFFFCC00  }
0x29: {  	v1 =	vmul.u32 $0x64, v0;
	v0 =	vld [tilespmem:s28+$0x0];
	_ =	sdelay $0x2  }
0x2a: {  	v1 =	vbroadcast v1, $0x0  }
0x2b: {  	s29 =	simm.s32 $0x40;
	s30 =	sadd.s32 $0x10, s7  }
.LBB2_2:
0x2c: {  	v2 =	vmov s30;
	s31 =	sshra.s32 s29, $0x2;
	p1 =	sne.s32 s29, $0xCFC0;
	s29 =	sadd.s32 $0x40, s29;
	v1 =	vadd.s32 v1, v0  }
.Ltmp2:
0x2d: {  	v2 =	vshrl.u32 v2, $0xE;
	v0 =	vld [tilespmem:s31+$0x0];
	[tilespmem:s28+$0x0] =	vst v1;
	s28 =	smov.u32 s31;
	(pc) =	sbr.rel @p1 .LBB2_2-.Ltmp2, $3  }
0x2e: {  	v1 =	vmul.u32 $0x64, v2;
	_ =	sdelay $0x1  }
0x2f: {  	v1 =	vbroadcast v1, $0x0  }
0x30: {  	s30 =	sadd.s32 $0x10, s30  }
0x31: {  	v0 =	vadd.s32 v1, v0  }
0x32: {  	[tilespmem:s28+$0x0] =	vst v0  }
0x33: {  	s28 =	simm.s32 $0x0;
	[bflag:$0x0] =	sbarrier.arrive $0xFFFF  }
0x34: {  	[tilespmem:s13], [sflag:$0x1] =	stream.indirect.gather [spmem:s1], $0x80, s28, s12, $0xb8;
	[tilespmem:$0x18540] =	vst v63  }
0x35: {  	_ = 	snop  }
0x36: {  	[tilespmem:s14], [sflag:$0x2] =	stream.indirect.gather [spmem:s1], $0x80, s12, s12, $0xb8;
	[tilespmem:$0x18540] =	vst v63  }
0x37: {  	s0 =	simm.s32 $0x100;
	s15 =	simm.s32 $0xB400  }
0x38: {  	[tilespmem:s15], [sflag:$0x3] =	stream.indirect.gather [spmem:s1], $0x80, s0, s12, $0xb8;
	[tilespmem:$0x18540] =	vst v63  }
0x39: {  	s29 =	simm.s32 $0x200  }
0x3a: {  	[tilespmem:s18], [sflag:$0x4] =	stream.indirect.gather [spmem:s1], $0x80, s17, s12, $0xb8;
	[tilespmem:$0x18540] =	vst v63  }
.LBB2_4:
0x3b: {  	_ =	swait.ge [sflag:s19], $0x4000  }
0x3c: {  	[sflag:s19] =	ssyncset.done $0x0  }
0x3d: {  	s30 =	sadd.s32 s28, s8;
	p1 =	seq.s32 s28, $0x32000;
	[sflag:s19] =	ssyncadd.s32 $0xFFFFC000  }
0x3e: {  	[hbm4b:s30+s2] =	stream.linear.scatter [tilespmem:s13], [sflag:$0x5], $0x4000, $0x38;
	[tilespmem:$0x18540] =	vst v63  }
0x3f: {  	s30 =	simm.s32 @!p1 $0x5  }
0x40: {  	_ =	swait.ge @!p1 [sflag:s30], $0x4000  }
0x41: {  	[sflag:s30] =	ssyncset.done @!p1 $0x0  }
0x42: {  	s31 =	simm.s32 @!p1 $0x3400;
	[sflag:s30] =	ssyncadd.s32 @!p1 $0xFFFFC000;
	s30 =	simm.s32 @!p1 $0x80  }
0x43: {  	[tilespmem:s31], [sflag:$0x1] =	stream.indirect.gather @!p1 [spmem:s1], $0x80, s29, s30, $0xb8;
	[tilespmem:$0x18540] =	vst v63  }
0x44: {  	_ =	swait.ge [sflag:s20], $0x4000  }
0x45: {  	s31 =	sadd.s32 s28, s9;
	[sflag:s20] =	ssyncset.done $0x0  }
0x46: {  	s0 =	sadd.s32 $0x800, s31;
	[sflag:s20] =	ssyncadd.s32 $0xFFFFC000  }
0x47: {  	[hbm4b:s0+s2] =	stream.linear.scatter [tilespmem:s14], [sflag:$0x6], $0x4000, $0x38;
	[tilespmem:$0x18540] =	vst v63  }
0x48: {  	s0 =	simm.s32 @p1 $0x3  }
0x49: {  	_ =	swait.ge @p1 [sflag:s0], $0x4000  }
0x4a: {  	[sflag:s0] =	ssyncset.done @p1 $0x0  }
0x4b: {  	s15 =	simm.s32 @p1 $0xB400;
	[sflag:s0] =	ssyncadd.s32 @p1 $0xFFFFC000;
	s0 =	simm.s32 @p1 $0x0  }
0x4c: {  	[hbm4b:s6+s0] =	stream.linear.scatter @p1 [tilespmem:s15], [sflag:$0x7], $0x4000, $0x38;
	[tilespmem:$0x18540] =	vst v63  }
0x4d: {  	s0 =	simm.s32 @!p1 $0x6  }
0x4e: {  	_ =	swait.ge @!p1 [sflag:s0], $0x4000  }
0x4f: {  	[sflag:s0] =	ssyncset.done @!p1 $0x0  }
0x50: {  	s15 =	simm.s32 @!p1 $0x7400;
	[sflag:s0] =	ssyncadd.s32 @!p1 $0xFFFFC000;
	s0 =	sadd.s32 @!p1 $0x80, s29  }
0x51: {  	[tilespmem:s15], [sflag:$0x2] =	stream.indirect.gather @!p1 [spmem:s1], $0x80, s0, s30, $0xb8;
	[tilespmem:$0x18540] =	vst v63  }
0x52: {  	s0 =	simm.s32 @!p1 $0x3  }
0x53: {  	_ =	swait.ge @!p1 [sflag:s0], $0x4000  }
0x54: {  	[sflag:s0] =	ssyncset.done @!p1 $0x0  }
0x55: {  	[sflag:s0] =	ssyncadd.s32 @!p1 $0xFFFFC000;
	s0 =	sadd.s32 @!p1 s28, s9  }
0x56: {  	s16 =	simm.s32 @!p1 $0xB400;
	s15 =	simm.s32 @!p1 $0x0;
	s0 =	sadd.s32 @!p1 $0x1000, s0  }
0x57: {  	[hbm4b:s0+s15] =	stream.linear.scatter @!p1 [tilespmem:s16], [sflag:$0x7], $0x4000, $0x38;
	[tilespmem:$0x18540] =	vst v63  }
0x58: {  	s0 =	simm.s32 @!p1 $0x7  }
0x59: {  	_ =	swait.ge @!p1 [sflag:s0], $0x4000  }
0x5a: {  	[sflag:s0] =	ssyncset.done @!p1 $0x0  }
0x5b: {  	[sflag:s0] =	ssyncadd.s32 @!p1 $0xFFFFC000;
	s0 =	sadd.s32 @!p1 $0x100, s29  }
0x5c: {  	[tilespmem:s16], [sflag:$0x3] =	stream.indirect.gather @!p1 [spmem:s1], $0x80, s0, s30, $0xb8;
	[tilespmem:$0x18540] =	vst v63  }
.Ltmp3:
0x5d: {  	_ = 	snop;
	(pc) =	sbr.rel @p1 .LBB2_6-.Ltmp3, $4  }
0x5e: {  	_ =	swait.ge [sflag:s21], $0x4000  }
0x5f: {  	[sflag:s21] =	ssyncset.done $0x0  }
0x60: {  	s31 =	sadd.s32 $0x1800, s31;
	[sflag:s21] =	ssyncadd.s32 $0xFFFFC000  }
0x61: {  	[hbm4b:s31+s2] =	stream.linear.scatter [tilespmem:s18], [sflag:$0x8], $0x4000, $0x38;
	[tilespmem:$0x18540] =	vst v63  }
.Ltmp4:
0x62: {  	(pc) =	sbr.rel .LBB2_4-.Ltmp4, $4  }
0x63: {  	_ =	swait.ge [sflag:s25], $0x4000  }
0x64: {  	s0 =	sadd.s32 $0x180, s29;
	[sflag:s25] =	ssyncset.done $0x0  }
0x65: {  	s28 =	sadd.s32 $0x2000, s28;
	s29 =	sadd.s32 $0x200, s29;
	[sflag:s25] =	ssyncadd.s32 $0xFFFFC000  }
0x66: {  	[tilespmem:s18], [sflag:$0x4] =	stream.indirect.gather [spmem:s1], $0x80, s0, s12, $0xb8;
	[tilespmem:$0x18540] =	vst v63  }
.LBB2_7:
0x67: {  	_ =	sfence.sel $0x180000  }
0x68: {  	[bflag:$0x0] =	sbarrier.arrive $0xFFFF  }
0x69: {  	_ =	strace $0x90000047  }
0x6a: {  	[bflag:$0x2] =	sbarrier.arrive $0xFFFF  }
0x6b: {  	s0 =	rddreg [dreg:$0x3]  }
0x6c: {  	s0 =	sadd.s32 @!p0 $0x100000, s0  }
0x6d: {  	[sflag:s0] =	ssyncadd.tile.s32 @!p0 $0x1;
	_ =	shalt  }
.Lfunc_end2:
_tile_overlayer_lowered:
.L_overlay_start_2:
0x6e: {  	(tag) =	ssettag $0x2  }
0x6f: {  	s0 =	rddreg [dreg:$0x0];
	s2 =	stileid.u32  }
0x70: {  	s1 =	rddreg [dreg:$0x1];
	p0 =	sne.s32 s2, $0x0  }
0x71: {  	s3 =	rddreg [dreg:$0x2];
	[bflag:$0x3] =	sbarrier.arrive $0xFFFF;
	s2 =	simm.s32 @!p0 $0x1C0A  }
0x72: {  	[timem:s3], [sflag:s2] =	dma.local @!p0 [hbm:s0], s1  }
0x73: {  	s0 =	simm.s32 @!p0 $0xA  }
0x74: {  	_ =	swait.ge @!p0 [sflag:s0], s1  }
0x75: {  	s1 =	ssub.s32 @!p0 $0x0, s1;
	[sflag:s0] =	ssyncset.done @!p0 $0x0  }
0x76: {  	[sflag:s0] =	ssyncadd.s32 @!p0 s1  }
0x77: {  	[bflag:$0x3] =	sbarrier.arrive $0xFFFF  }
0x78: {  	_ =	shalt  }

</sc_bundles>
